<compile_context>
chip_gen: v7x
topology: tpu7x:2x2x1
jax: 0.10.2.dev20260603
libtpu: 0.0.44.dev20260713+nightly
codegen_flags: <defaults>
</compile_context>

<pallas_src>
import functools

import jax
import jax.numpy as jnp
from jax import lax
from jax.experimental import pallas as pl
from jax.experimental.pallas import tpu as pltpu
from jax.experimental.pallas import tpu_sc as plsc

NC = 2
NS = 16
L = 16
NW = NC * NS

CH = 128


def _sc_aggregate(N, E_pad, xst, icat, zrows, z1):
    NA = N + 112
    SLC = NA // NS
    CPT = E_pad // CH // NS
    PAIRS = CPT // 2

    mesh = plsc.VectorSubcoreMesh(core_axis_name="c", subcore_axis_name="s")

    @functools.partial(
        pl.kernel,
        out_type=(
            jax.ShapeDtypeStruct((NC, NA, 128), jnp.float32),
            jax.ShapeDtypeStruct((NW * NA,), jnp.float32),
        ),
        mesh=mesh,
        scratch_types=[
            pltpu.VMEM((2, CH), jnp.int32),
            pltpu.VMEM((2, CH), jnp.int32),
            pltpu.VMEM((CH, 128), jnp.float32),
            pltpu.VMEM((CH, 128), jnp.float32),
            pltpu.VMEM((NA,), jnp.float32),
            pltpu.SemaphoreType.DMA,
            pltpu.SemaphoreType.DMA,
            pltpu.SemaphoreType.DMA,
            pltpu.SemaphoreType.DMA,
            pltpu.VMEM_SHARED((NA, 128), jnp.float32),
        ],
        compiler_params=pltpu.CompilerParams(needs_layout_passes=False),
    )
    def k(xst_h, icat_h, zrows_h, z1_h,
          agg_out, deg_out,
          iv0, iv1, rows_v0, rows_v1, deg_v,
          sem_g0, sem_g1, sem_i0, sem_i1, acc_sh):
        c = lax.axis_index("c")
        s = lax.axis_index("s")
        w = s * NC + c
        NCH = E_pad // CH
        chunk0 = c * NCH + s * CPT

        rows_slice = pl.ds(s * SLC, SLC)
        pltpu.sync_copy(zrows_h, acc_sh.at[rows_slice])
        pltpu.sync_copy(z1_h, deg_v)
        plsc.subcore_barrier()

        one16 = jnp.ones((L,), jnp.float32)

        def count_deg(iv):
            for i in range(CH // L):
                plsc.addupdate_scatter(
                    deg_v, [iv[1, pl.ds(i * L, L)]], one16)

        def start_gather(iv, rv, sem):
            return pltpu.async_copy(xst_h.at[iv.at[0]], rv, sem)

        def start_idx(j, iv, sem):
            return pltpu.async_copy(icat_h.at[chunk0 + j], iv, sem)

        def wait_idx(sem, iv):
            pltpu.make_async_copy(icat_h.at[0], iv, sem).wait()

        def wait_rows(sem, rv):
            pltpu.make_async_copy(zrows_h.at[pl.ds(0, CH)], rv, sem).wait()

        start_idx(0, iv0, sem_i0)
        start_idx(1, iv1, sem_i1)
        wait_idx(sem_i0, iv0)
        start_gather(iv0, rows_v0, sem_g0)

        def body(t2, carry):
            not_last = t2 < PAIRS - 1
            e = 2 * t2
            wait_rows(sem_g0, rows_v0)
            wait_idx(sem_i1, iv1)
            start_gather(iv1, rows_v1, sem_g1)
            count_deg(iv0)
            pltpu.sync_copy(rows_v0, acc_sh.at[iv0.at[1]], add=True)

            @pl.when(not_last)
            def _():
                start_idx(e + 2, iv0, sem_i0)

            wait_rows(sem_g1, rows_v1)

            @pl.when(not_last)
            def _():
                wait_idx(sem_i0, iv0)
                start_gather(iv0, rows_v0, sem_g0)

            count_deg(iv1)
            pltpu.sync_copy(rows_v1, acc_sh.at[iv1.at[1]], add=True)

            @pl.when(not_last)
            def _():
                start_idx(e + 3, iv1, sem_i1)

            return carry

        lax.fori_loop(0, PAIRS, body, 0)
        plsc.subcore_barrier()

        pltpu.sync_copy(acc_sh.at[rows_slice], agg_out.at[c, rows_slice])
        pltpu.sync_copy(deg_v, deg_out.at[pl.ds(w * NA, NA)])

    return k(xst, icat, zrows, z1)


def _tc_epilogue(agg, degm, x, W_l, W_r, b2):
    N, D = x.shape
    BN = 2048
    grid = (N + BN - 1) // BN

    def body(agg_ref, deg_ref, x_ref, wl_ref, wr_ref, b_ref, out_ref):
        a = jnp.concatenate([agg_ref[0], agg_ref[1]], axis=1)
        dsum = jnp.sum(deg_ref[...], axis=0, keepdims=True) * 0.5
        dinv = (1.0 / jnp.maximum(dsum, 1.0)).reshape(BN, 1)
        acc = lax.dot(a * dinv, wl_ref[...],
                      preferred_element_type=jnp.float32)
        acc = acc + lax.dot(x_ref[...], wr_ref[...],
                            preferred_element_type=jnp.float32)
        out_ref[...] = acc + b_ref[...]

    return pl.pallas_call(
        body,
        grid=(grid,),
        in_specs=[
            pl.BlockSpec((NC, BN, 128), lambda i: (0, i, 0)),
            pl.BlockSpec((NW, BN), lambda i: (0, i)),
            pl.BlockSpec((BN, D), lambda i: (i, 0)),
            pl.BlockSpec((D, D), lambda i: (0, 0)),
            pl.BlockSpec((D, D), lambda i: (0, 0)),
            pl.BlockSpec((1, D), lambda i: (0, 0)),
        ],
        out_specs=pl.BlockSpec((BN, D), lambda i: (i, 0)),
        out_shape=jax.ShapeDtypeStruct((N, D), jnp.float32),
    )(agg, degm, x, W_l, W_r, b2)


def kernel(x, edge_index, W_l, W_r, b_l):
    N, D = x.shape
    E = edge_index.shape[1]
    NP = N + 8
    NA = N + 112

    epc = NS * CH * 2
    E_pad = ((E + epc - 1) // epc) * epc
    pad = E_pad - E
    src = jnp.concatenate(
        [edge_index[0], jnp.full((pad,), N, dtype=jnp.int32)])
    dst_p = jnp.concatenate(
        [edge_index[1], jnp.full((pad,), N, dtype=jnp.int32)])
    srcr = src.reshape(E_pad // CH, CH)
    dstr = dst_p.reshape(E_pad // CH, CH)
    icat = jnp.concatenate([
        jnp.stack([srcr + c * NP, dstr], axis=1) for c in range(NC)])

    xr = x.reshape(N, NC, 128).transpose(1, 0, 2)
    xr = jnp.pad(xr, ((0, 0), (0, NP - N), (0, 0)))
    xst = xr.reshape(NC * NP, 128)

    SLC = NA // NS
    zrows = jnp.zeros((SLC, 128), jnp.float32)
    z1 = jnp.zeros((NA,), jnp.float32)

    agg, deg_flat = _sc_aggregate(N, E_pad, xst, icat, zrows, z1)
    degm = deg_flat.reshape(NW, NA)

    b2 = b_l.reshape(1, D)
    return _tc_epilogue(agg, degm, x, W_l, W_r, b2)

# --- scband reference (transcript-rebuilt; emitter-appended) ---
"""Pipeline reference for scband-simple-gnn-54855322304848 (READ-ONLY COPY).

The authoritative reference and input builder live on the scoring server;
editing this copy changes nothing except your own understanding.
"""

import jax, jax.numpy as jnp
import numpy as np

N = 10000
E = 160000
D_IN = 256
D_OUT = 256


def setup_inputs(seed: int = 0) -> dict:
    key = jax.random.key(seed)
    k1, k2, k3, k4 = jax.random.split(key, 4)
    x = jax.random.normal(k1, (N, D_IN), dtype=jnp.float32)
    edge_index = jax.random.randint(k2, (2, E), 0, N, dtype=jnp.int32)
    # SAGEConv parameters: lin_l applied to aggregated neighbors (with bias),
    # lin_r applied to root node features (no bias in PyG default).
    scale = 1.0 / np.sqrt(D_IN)
    W_l = jax.random.uniform(k3, (D_IN, D_OUT), dtype=jnp.float32, minval=-scale, maxval=scale)
    W_r = jax.random.uniform(k4, (D_IN, D_OUT), dtype=jnp.float32, minval=-scale, maxval=scale)
    b_l = jnp.zeros((D_OUT,), dtype=jnp.float32)
    return {"x": x, "edge_index": edge_index, "W_l": W_l, "W_r": W_r, "b_l": b_l}


def reference(x, edge_index, W_l, W_r, b_l):
    # PyG SAGEConv with default mean aggregation:
    #   out = lin_l(mean_{j in N(i)} x_j) + lin_r(x_i)
    src = edge_index[0]
    dst = edge_index[1]
    msgs = jnp.take(x, src, axis=0)                      # gather source features [E, D_IN]
    agg_sum = jax.ops.segment_sum(msgs, dst, num_segments=N)
    deg = jax.ops.segment_sum(jnp.ones((E,), dtype=x.dtype), dst, num_segments=N)
    agg = agg_sum / jnp.maximum(deg, 1.0)[:, None]       # mean; zero-degree nodes -> 0
    out = agg @ W_l + b_l + x @ W_r
    return out

if __name__ == "__main__":
    import jax
    _d = setup_inputs()
    print(jax.jit(kernel)(*tuple(_d.values())))

</pallas_src>

<mosaic_0001>
#map = affine_map<(d0, d1) -> (0, 0)>
#map1 = affine_map<(d0, d1) -> (0, 0, 0)>
#map2 = affine_map<(d0, d1) -> (0)>
module attributes {stable_mosaic.version = 14 : i64} {
  func.func @k(%arg0: i32, %arg1: i32, %arg2: memref<20016x128xf32, #tpu.memory_space<hbm>>, %arg3: memref<2560x2x128xi32, #tpu.memory_space<hbm>>, %arg4: memref<632x128xf32, #tpu.memory_space<hbm>>, %arg5: memref<10112xf32, #tpu.memory_space<hbm>>, %arg6: memref<2x10112x128xf32, #tpu.memory_space<hbm>>, %arg7: memref<323584xf32, #tpu.memory_space<hbm>>, %arg8: memref<2x128xi32, #tpu.memory_space<vmem>>, %arg9: memref<2x128xi32, #tpu.memory_space<vmem>>, %arg10: memref<128x128xf32, #tpu.memory_space<vmem>>, %arg11: memref<128x128xf32, #tpu.memory_space<vmem>>, %arg12: memref<10112xf32, #tpu.memory_space<vmem>>, %arg13: memref<!tpu.dma_semaphore, #tpu.memory_space<semaphore_mem>>, %arg14: memref<!tpu.dma_semaphore, #tpu.memory_space<semaphore_mem>>, %arg15: memref<!tpu.dma_semaphore, #tpu.memory_space<semaphore_mem>>, %arg16: memref<!tpu.dma_semaphore, #tpu.memory_space<semaphore_mem>>, %arg17: memref<10112x128xf32, #tpu.memory_space<vmem_shared>>) attributes {dimension_semantics = [#tpu.dimension_semantics<core_parallel>, #tpu.dimension_semantics<subcore_parallel>], iteration_bounds = array<i64: 2, 16>, scalar_prefetch = 0 : i64, scratch_operands = 10 : i64, tpu.core_type = #tpu.core_type<sc_vector_subcore>, window_params = [{transform_indices = #map}, {transform_indices = #map1}, {transform_indices = #map}, {transform_indices = #map2}, {transform_indices = #map1}, {transform_indices = #map2}]} {
    %mul3A = arith.constant 2 : i32
    %mul3A_0 = arith.muli %arg1, %mul3A : i32
    %add3A = arith.addi %mul3A_0, %arg0 : i32
    %mul3A_1 = arith.constant 1280 : i32
    %mul3A_2 = arith.muli %arg0, %mul3A_1 : i32
    %mul3A_3 = arith.constant 80 : i32
    %mul3A_4 = arith.muli %arg1, %mul3A_3 : i32
    %add3A_5 = arith.addi %mul3A_2, %mul3A_4 : i32
    %mul3A_6 = arith.constant 632 : i32
    %mul3A_7 = arith.muli %arg1, %mul3A_6 : i32
    "tpu.region"() ({
      %run_scoped3A = tpu.sem_alloc : memref<!tpu.dma_semaphore, #tpu.memory_space<semaphore_mem>>
      %dma_start3A_51 = arith.constant 0 : i32
      %dma_start3A_52 = tpu.memref_slice %arg17[%mul3A_7, %dma_start3A_51] : memref<10112x128xf32, #tpu.memory_space<vmem_shared>> -> memref<632x128xf32, #tpu.memory_space<vmem_shared>>
      tpu.enqueue_dma source(%arg4 : memref<632x128xf32, #tpu.memory_space<hbm>>) target(%dma_start3A_52 : memref<632x128xf32, #tpu.memory_space<vmem_shared>>) target_semaphore(%run_scoped3A : memref<!tpu.dma_semaphore, #tpu.memory_space<semaphore_mem>>)
      %dma_wait3A_53 = arith.constant 0 : i32
      %dma_wait3A_54 = tpu.memref_slice %arg17[%mul3A_7, %dma_wait3A_53] : memref<10112x128xf32, #tpu.memory_space<vmem_shared>> -> memref<632x128xf32, #tpu.memory_space<vmem_shared>>
      tpu.wait_dma2 semaphore(%run_scoped3A : memref<!tpu.dma_semaphore, #tpu.memory_space<semaphore_mem>>) src(%arg4 : memref<632x128xf32, #tpu.memory_space<hbm>>) dst(%dma_wait3A_54 : memref<632x128xf32, #tpu.memory_space<vmem_shared>>)
      tpu.yield
    }) : () -> ()
    "tpu.region"() ({
      %run_scoped3A = tpu.sem_alloc : memref<!tpu.dma_semaphore, #tpu.memory_space<semaphore_mem>>
      tpu.enqueue_dma source(%arg5 : memref<10112xf32, #tpu.memory_space<hbm>>) target(%arg12 : memref<10112xf32, #tpu.memory_space<vmem>>) target_semaphore(%run_scoped3A : memref<!tpu.dma_semaphore, #tpu.memory_space<semaphore_mem>>)
      tpu.wait_dma2 semaphore(%run_scoped3A : memref<!tpu.dma_semaphore, #tpu.memory_space<semaphore_mem>>) src(%arg5 : memref<10112xf32, #tpu.memory_space<hbm>>) dst(%arg12 : memref<10112xf32, #tpu.memory_space<vmem>>)
      tpu.yield
    }) : () -> ()
    %barrier3A = arith.constant 0 : index
    tpu.barrier barrier_id(%barrier3A)
    %broadcast_in_dim3A = arith.constant 1.000000e+00 : f32
    %broadcast_in_dim3A_8 = vector.broadcast %broadcast_in_dim3A : f32 to vector<16xf32>
    %add3A_9 = arith.constant 0 : i32
    %add3A_10 = arith.addi %add3A_5, %add3A_9 : i32
    %dma_start3A = arith.constant 0 : i32
    %dma_start3A_11 = arith.constant 0 : i32
    %dma_start3A_12 = tpu.memref_slice %arg3[%add3A_10, %dma_start3A, %dma_start3A_11] : memref<2560x2x128xi32, #tpu.memory_space<hbm>> -> memref<1x2x128xi32, #tpu.memory_space<hbm>>
    %dma_start3A_13 = tpu.memref_squeeze %dma_start3A_12 : memref<1x2x128xi32, #tpu.memory_space<hbm>> -> memref<2x128xi32, #tpu.memory_space<hbm>>
    %dma_start3A_14 = arith.constant 0 : i32
    %dma_start3A_15 = arith.constant 0 : i32
    %dma_start3A_16 = tpu.memref_slice %arg3[%add3A_10, %dma_start3A_14, %dma_start3A_15] : memref<2560x2x128xi32, #tpu.memory_space<hbm>> -> memref<1x2x128xi32, #tpu.memory_space<hbm>>
    %dma_start3A_17 = tpu.memref_squeeze %dma_start3A_16 : memref<1x2x128xi32, #tpu.memory_space<hbm>> -> memref<2x128xi32, #tpu.memory_space<hbm>>
    tpu.enqueue_dma source(%dma_start3A_17 : memref<2x128xi32, #tpu.memory_space<hbm>>) target(%arg8 : memref<2x128xi32, #tpu.memory_space<vmem>>) target_semaphore(%arg15 : memref<!tpu.dma_semaphore, #tpu.memory_space<semaphore_mem>>)
    %add3A_18 = arith.constant 1 : i32
    %add3A_19 = arith.addi %add3A_5, %add3A_18 : i32
    %dma_start3A_20 = arith.constant 0 : i32
    %dma_start3A_21 = arith.constant 0 : i32
    %dma_start3A_22 = tpu.memref_slice %arg3[%add3A_19, %dma_start3A_20, %dma_start3A_21] : memref<2560x2x128xi32, #tpu.memory_space<hbm>> -> memref<1x2x128xi32, #tpu.memory_space<hbm>>
    %dma_start3A_23 = tpu.memref_squeeze %dma_start3A_22 : memref<1x2x128xi32, #tpu.memory_space<hbm>> -> memref<2x128xi32, #tpu.memory_space<hbm>>
    %dma_start3A_24 = arith.constant 0 : i32
    %dma_start3A_25 = arith.constant 0 : i32
    %dma_start3A_26 = tpu.memref_slice %arg3[%add3A_19, %dma_start3A_24, %dma_start3A_25] : memref<2560x2x128xi32, #tpu.memory_space<hbm>> -> memref<1x2x128xi32, #tpu.memory_space<hbm>>
    %dma_start3A_27 = tpu.memref_squeeze %dma_start3A_26 : memref<1x2x128xi32, #tpu.memory_space<hbm>> -> memref<2x128xi32, #tpu.memory_space<hbm>>
    tpu.enqueue_dma source(%dma_start3A_27 : memref<2x128xi32, #tpu.memory_space<hbm>>) target(%arg9 : memref<2x128xi32, #tpu.memory_space<vmem>>) target_semaphore(%arg16 : memref<!tpu.dma_semaphore, #tpu.memory_space<semaphore_mem>>)
    %dma_wait3A = arith.constant 0 : i32
    %dma_wait3A_28 = arith.constant 0 : i32
    %dma_wait3A_29 = arith.constant 0 : i32
    %dma_wait3A_30 = tpu.memref_slice %arg3[%dma_wait3A, %dma_wait3A_28, %dma_wait3A_29] : memref<2560x2x128xi32, #tpu.memory_space<hbm>> -> memref<1x2x128xi32, #tpu.memory_space<hbm>>
    %dma_wait3A_31 = tpu.memref_squeeze %dma_wait3A_30 : memref<1x2x128xi32, #tpu.memory_space<hbm>> -> memref<2x128xi32, #tpu.memory_space<hbm>>
    %dma_wait3A_32 = arith.constant 0 : i32
    %dma_wait3A_33 = arith.constant 0 : i32
    %dma_wait3A_34 = tpu.memref_slice %arg3[%dma_wait3A, %dma_wait3A_32, %dma_wait3A_33] : memref<2560x2x128xi32, #tpu.memory_space<hbm>> -> memref<1x2x128xi32, #tpu.memory_space<hbm>>
    %dma_wait3A_35 = tpu.memref_squeeze %dma_wait3A_34 : memref<1x2x128xi32, #tpu.memory_space<hbm>> -> memref<2x128xi32, #tpu.memory_space<hbm>>
    tpu.wait_dma2 semaphore(%arg15 : memref<!tpu.dma_semaphore, #tpu.memory_space<semaphore_mem>>) src(%dma_wait3A_35 : memref<2x128xi32, #tpu.memory_space<hbm>>) dst(%arg8 : memref<2x128xi32, #tpu.memory_space<vmem>>)
    %dma_start3A_36 = arith.constant 0 : i32
    %dma_start3A_37 = arith.constant 0 : i32
    %dma_start3A_38 = tpu.memref_slice %arg8[%dma_start3A_36, %dma_start3A_37] : memref<2x128xi32, #tpu.memory_space<vmem>> -> memref<1x128xi32, #tpu.memory_space<vmem>>
    %dma_start3A_39 = tpu.memref_squeeze %dma_start3A_38 : memref<1x128xi32, #tpu.memory_space<vmem>> -> memref<128xi32, #tpu.memory_space<vmem>>
    %dma_start3A_40 = arith.constant 0 : i32
    %dma_start3A_41 = arith.constant 0 : i32
    %dma_start3A_42 = tpu.memref_slice %arg2[%dma_start3A_40, %dma_start3A_41] : memref<20016x128xf32, #tpu.memory_space<hbm>> -> memref<20016x128xf32, #tpu.memory_space<hbm>>
    tpu.enqueue_indirect_dma source(%dma_start3A_42 : memref<20016x128xf32, #tpu.memory_space<hbm>>) target(%arg10 : memref<128x128xf32, #tpu.memory_space<vmem>>) offsets(%dma_start3A_39 : memref<128xi32, #tpu.memory_space<vmem>>) semaphore(%arg13 : memref<!tpu.dma_semaphore, #tpu.memory_space<semaphore_mem>>)
    %scan3A = arith.constant 0 : i32
    %scan3A_43 = arith.constant 0 : i32
    %scan3A_44 = arith.constant 40 : i32
    %scan3A_45 = arith.addi %scan3A_43, %scan3A_44 : i32
    %scan3A_46 = arith.constant 1 : i32
    scf.for %scan3A_51 = %scan3A_43 to %scan3A_45 step %scan3A_46  : i32 {
      %lt3A = arith.constant 39 : i32
      %lt3A_52 = arith.cmpi slt, %scan3A_51, %lt3A : i32
      %mul3A_53 = arith.constant 2 : i32
      %mul3A_54 = arith.muli %mul3A_53, %scan3A_51 : i32
      %dma_wait3A_55 = arith.constant 0 : i32
      %dma_wait3A_56 = arith.constant 0 : i32
      %dma_wait3A_57 = tpu.memref_slice %arg4[%dma_wait3A_55, %dma_wait3A_56] : memref<632x128xf32, #tpu.memory_space<hbm>> -> memref<128x128xf32, #tpu.memory_space<hbm>>
      %dma_wait3A_58 = arith.constant 0 : i32
      %dma_wait3A_59 = arith.constant 0 : i32
      %dma_wait3A_60 = tpu.memref_slice %arg4[%dma_wait3A_58, %dma_wait3A_59] : memref<632x128xf32, #tpu.memory_space<hbm>> -> memref<128x128xf32, #tpu.memory_space<hbm>>
      tpu.wait_dma2 semaphore(%arg13 : memref<!tpu.dma_semaphore, #tpu.memory_space<semaphore_mem>>) src(%dma_wait3A_60 : memref<128x128xf32, #tpu.memory_space<hbm>>) dst(%arg10 : memref<128x128xf32, #tpu.memory_space<vmem>>)
      %dma_wait3A_61 = arith.constant 0 : i32
      %dma_wait3A_62 = arith.constant 0 : i32
      %dma_wait3A_63 = arith.constant 0 : i32
      %dma_wait3A_64 = tpu.memref_slice %arg3[%dma_wait3A_61, %dma_wait3A_62, %dma_wait3A_63] : memref<2560x2x128xi32, #tpu.memory_space<hbm>> -> memref<1x2x128xi32, #tpu.memory_space<hbm>>
      %dma_wait3A_65 = tpu.memref_squeeze %dma_wait3A_64 : memref<1x2x128xi32, #tpu.memory_space<hbm>> -> memref<2x128xi32, #tpu.memory_space<hbm>>
      %dma_wait3A_66 = arith.constant 0 : i32
      %dma_wait3A_67 = arith.constant 0 : i32
      %dma_wait3A_68 = tpu.memref_slice %arg3[%dma_wait3A_61, %dma_wait3A_66, %dma_wait3A_67] : memref<2560x2x128xi32, #tpu.memory_space<hbm>> -> memref<1x2x128xi32, #tpu.memory_space<hbm>>
      %dma_wait3A_69 = tpu.memref_squeeze %dma_wait3A_68 : memref<1x2x128xi32, #tpu.memory_space<hbm>> -> memref<2x128xi32, #tpu.memory_space<hbm>>
      tpu.wait_dma2 semaphore(%arg16 : memref<!tpu.dma_semaphore, #tpu.memory_space<semaphore_mem>>) src(%dma_wait3A_69 : memref<2x128xi32, #tpu.memory_space<hbm>>) dst(%arg9 : memref<2x128xi32, #tpu.memory_space<vmem>>)
      %dma_start3A_70 = arith.constant 0 : i32
      %dma_start3A_71 = arith.constant 0 : i32
      %dma_start3A_72 = tpu.memref_slice %arg9[%dma_start3A_70, %dma_start3A_71] : memref<2x128xi32, #tpu.memory_space<vmem>> -> memref<1x128xi32, #tpu.memory_space<vmem>>
      %dma_start3A_73 = tpu.memref_squeeze %dma_start3A_72 : memref<1x128xi32, #tpu.memory_space<vmem>> -> memref<128xi32, #tpu.memory_space<vmem>>
      %dma_start3A_74 = arith.constant 0 : i32
      %dma_start3A_75 = arith.constant 0 : i32
      %dma_start3A_76 = tpu.memref_slice %arg2[%dma_start3A_74, %dma_start3A_75] : memref<20016x128xf32, #tpu.memory_space<hbm>> -> memref<20016x128xf32, #tpu.memory_space<hbm>>
      tpu.enqueue_indirect_dma source(%dma_start3A_76 : memref<20016x128xf32, #tpu.memory_space<hbm>>) target(%arg11 : memref<128x128xf32, #tpu.memory_space<vmem>>) offsets(%dma_start3A_73 : memref<128xi32, #tpu.memory_space<vmem>>) semaphore(%arg14 : memref<!tpu.dma_semaphore, #tpu.memory_space<semaphore_mem>>)
      %get3A = arith.constant 1 : i32
      %get3A_77 = arith.index_cast %get3A : i32 to index
      %get3A_78 = arith.constant 0 : index
      %get3A_79 = tpu.vector_load %arg8[%get3A_77, %get3A_78] {strides = array<i32>} : memref<2x128xi32, #tpu.memory_space<vmem>>, vector<16xi32>,
      tpu.vector_store_idx %arg12[%get3A_79], %broadcast_in_dim3A_8 {add = true} : memref<10112xf32, #tpu.memory_space<vmem>>[vector<16xi32>], vector<16xf32>,
      %get3A_80 = arith.constant 1 : i32
      %get3A_81 = arith.index_cast %get3A_80 : i32 to index
      %get3A_82 = arith.constant 16 : index
      %get3A_83 = tpu.vector_load %arg8[%get3A_81, %get3A_82] {strides = array<i32>} : memref<2x128xi32, #tpu.memory_space<vmem>>, vector<16xi32>,
      tpu.vector_store_idx %arg12[%get3A_83], %broadcast_in_dim3A_8 {add = true} : memref<10112xf32, #tpu.memory_space<vmem>>[vector<16xi32>], vector<16xf32>,
      %get3A_84 = arith.constant 1 : i32
      %get3A_85 = arith.index_cast %get3A_84 : i32 to index
      %get3A_86 = arith.constant 32 : index
      %get3A_87 = tpu.vector_load %arg8[%get3A_85, %get3A_86] {strides = array<i32>} : memref<2x128xi32, #tpu.memory_space<vmem>>, vector<16xi32>,
      tpu.vector_store_idx %arg12[%get3A_87], %broadcast_in_dim3A_8 {add = true} : memref<10112xf32, #tpu.memory_space<vmem>>[vector<16xi32>], vector<16xf32>,
      %get3A_88 = arith.constant 1 : i32
      %get3A_89 = arith.index_cast %get3A_88 : i32 to index
      %get3A_90 = arith.constant 48 : index
      %get3A_91 = tpu.vector_load %arg8[%get3A_89, %get3A_90] {strides = array<i32>} : memref<2x128xi32, #tpu.memory_space<vmem>>, vector<16xi32>,
      tpu.vector_store_idx %arg12[%get3A_91], %broadcast_in_dim3A_8 {add = true} : memref<10112xf32, #tpu.memory_space<vmem>>[vector<16xi32>], vector<16xf32>,
      %get3A_92 = arith.constant 1 : i32
      %get3A_93 = arith.index_cast %get3A_92 : i32 to index
      %get3A_94 = arith.constant 64 : index
      %get3A_95 = tpu.vector_load %arg8[%get3A_93, %get3A_94] {strides = array<i32>} : memref<2x128xi32, #tpu.memory_space<vmem>>, vector<16xi32>,
      tpu.vector_store_idx %arg12[%get3A_95], %broadcast_in_dim3A_8 {add = true} : memref<10112xf32, #tpu.memory_space<vmem>>[vector<16xi32>], vector<16xf32>,
      %get3A_96 = arith.constant 1 : i32
      %get3A_97 = arith.index_cast %get3A_96 : i32 to index
      %get3A_98 = arith.constant 80 : index
      %get3A_99 = tpu.vector_load %arg8[%get3A_97, %get3A_98] {strides = array<i32>} : memref<2x128xi32, #tpu.memory_space<vmem>>, vector<16xi32>,
      tpu.vector_store_idx %arg12[%get3A_99], %broadcast_in_dim3A_8 {add = true} : memref<10112xf32, #tpu.memory_space<vmem>>[vector<16xi32>], vector<16xf32>,
      %get3A_100 = arith.constant 1 : i32
      %get3A_101 = arith.index_cast %get3A_100 : i32 to index
      %get3A_102 = arith.constant 96 : index
      %get3A_103 = tpu.vector_load %arg8[%get3A_101, %get3A_102] {strides = array<i32>} : memref<2x128xi32, #tpu.memory_space<vmem>>, vector<16xi32>,
      tpu.vector_store_idx %arg12[%get3A_103], %broadcast_in_dim3A_8 {add = true} : memref<10112xf32, #tpu.memory_space<vmem>>[vector<16xi32>], vector<16xf32>,
      %get3A_104 = arith.constant 1 : i32
      %get3A_105 = arith.index_cast %get3A_104 : i32 to index
      %get3A_106 = arith.constant 112 : index
      %get3A_107 = tpu.vector_load %arg8[%get3A_105, %get3A_106] {strides = array<i32>} : memref<2x128xi32, #tpu.memory_space<vmem>>, vector<16xi32>,
      tpu.vector_store_idx %arg12[%get3A_107], %broadcast_in_dim3A_8 {add = true} : memref<10112xf32, #tpu.memory_space<vmem>>[vector<16xi32>], vector<16xf32>,
      %run_scoped3A = arith.constant 1 : i32
      "tpu.region"() ({
        %run_scoped3A_154 = tpu.sem_alloc : memref<!tpu.dma_semaphore, #tpu.memory_space<semaphore_mem>>
        %dma_start3A_155 = arith.constant 0 : i32
        %dma_start3A_156 = tpu.memref_slice %arg8[%run_scoped3A, %dma_start3A_155] : memref<2x128xi32, #tpu.memory_space<vmem>> -> memref<1x128xi32, #tpu.memory_space<vmem>>
        %dma_start3A_157 = tpu.memref_squeeze %dma_start3A_156 : memref<1x128xi32, #tpu.memory_space<vmem>> -> memref<128xi32, #tpu.memory_space<vmem>>
        %dma_start3A_158 = arith.constant 0 : i32
        %dma_start3A_159 = arith.constant 0 : i32
        %dma_start3A_160 = tpu.memref_slice %arg17[%dma_start3A_158, %dma_start3A_159] : memref<10112x128xf32, #tpu.memory_space<vmem_shared>> -> memref<10112x128xf32, #tpu.memory_space<vmem_shared>>
        tpu.enqueue_indirect_dma source(%arg10 : memref<128x128xf32, #tpu.memory_space<vmem>>) target(%dma_start3A_160 : memref<10112x128xf32, #tpu.memory_space<vmem_shared>>) offsets(%dma_start3A_157 : memref<128xi32, #tpu.memory_space<vmem>>) semaphore(%run_scoped3A_154 : memref<!tpu.dma_semaphore, #tpu.memory_space<semaphore_mem>>) {add = true}
        %dma_wait3A_161 = arith.constant 0 : i32
        %dma_wait3A_162 = tpu.memref_slice %arg8[%run_scoped3A, %dma_wait3A_161] : memref<2x128xi32, #tpu.memory_space<vmem>> -> memref<1x128xi32, #tpu.memory_space<vmem>>
        %dma_wait3A_163 = tpu.memref_squeeze %dma_wait3A_162 : memref<1x128xi32, #tpu.memory_space<vmem>> -> memref<128xi32, #tpu.memory_space<vmem>>
        %dma_wait3A_164 = arith.constant 0 : i32
        %dma_wait3A_165 = arith.constant 0 : i32
        %dma_wait3A_166 = tpu.memref_slice %arg17[%dma_wait3A_164, %dma_wait3A_165] : memref<10112x128xf32, #tpu.memory_space<vmem_shared>> -> memref<10112x128xf32, #tpu.memory_space<vmem_shared>>
        tpu.wait_indirect_dma semaphore(%run_scoped3A_154 : memref<!tpu.dma_semaphore, #tpu.memory_space<semaphore_mem>>) src(%arg10 : memref<128x128xf32, #tpu.memory_space<vmem>>) dst(%dma_wait3A_166 : memref<10112x128xf32, #tpu.memory_space<vmem_shared>>)
        tpu.yield
      }) : () -> ()
      %convert_element_type3A = arith.extui %lt3A_52 : i1 to i32
      %cond3A = arith.constant 0 : i32
      %cond3A_108 = arith.cmpi ne, %convert_element_type3A, %cond3A : i32
      scf.if %cond3A_108 {
        %add3A_154 = arith.constant 2 : i32
        %add3A_155 = arith.addi %mul3A_54, %add3A_154 : i32
        %add3A_156 = arith.addi %add3A_5, %add3A_155 : i32
        %dma_start3A_157 = arith.constant 0 : i32
        %dma_start3A_158 = arith.constant 0 : i32
        %dma_start3A_159 = tpu.memref_slice %arg3[%add3A_156, %dma_start3A_157, %dma_start3A_158] : memref<2560x2x128xi32, #tpu.memory_space<hbm>> -> memref<1x2x128xi32, #tpu.memory_space<hbm>>
        %dma_start3A_160 = tpu.memref_squeeze %dma_start3A_159 : memref<1x2x128xi32, #tpu.memory_space<hbm>> -> memref<2x128xi32, #tpu.memory_space<hbm>>
        %dma_start3A_161 = arith.constant 0 : i32
        %dma_start3A_162 = arith.constant 0 : i32
        %dma_start3A_163 = tpu.memref_slice %arg3[%add3A_156, %dma_start3A_161, %dma_start3A_162] : memref<2560x2x128xi32, #tpu.memory_space<hbm>> -> memref<1x2x128xi32, #tpu.memory_space<hbm>>
        %dma_start3A_164 = tpu.memref_squeeze %dma_start3A_163 : memref<1x2x128xi32, #tpu.memory_space<hbm>> -> memref<2x128xi32, #tpu.memory_space<hbm>>
        tpu.enqueue_dma source(%dma_start3A_164 : memref<2x128xi32, #tpu.memory_space<hbm>>) target(%arg8 : memref<2x128xi32, #tpu.memory_space<vmem>>) target_semaphore(%arg15 : memref<!tpu.dma_semaphore, #tpu.memory_space<semaphore_mem>>)
      } else {
      }
      %dma_wait3A_109 = arith.constant 0 : i32
      %dma_wait3A_110 = arith.constant 0 : i32
      %dma_wait3A_111 = tpu.memref_slice %arg4[%dma_wait3A_109, %dma_wait3A_110] : memref<632x128xf32, #tpu.memory_space<hbm>> -> memref<128x128xf32, #tpu.memory_space<hbm>>
      %dma_wait3A_112 = arith.constant 0 : i32
      %dma_wait3A_113 = arith.constant 0 : i32
      %dma_wait3A_114 = tpu.memref_slice %arg4[%dma_wait3A_112, %dma_wait3A_113] : memref<632x128xf32, #tpu.memory_space<hbm>> -> memref<128x128xf32, #tpu.memory_space<hbm>>
      tpu.wait_dma2 semaphore(%arg14 : memref<!tpu.dma_semaphore, #tpu.memory_space<semaphore_mem>>) src(%dma_wait3A_114 : memref<128x128xf32, #tpu.memory_space<hbm>>) dst(%arg11 : memref<128x128xf32, #tpu.memory_space<vmem>>)
      %convert_element_type3A_115 = arith.extui %lt3A_52 : i1 to i32
      %cond3A_116 = arith.constant 0 : i32
      %cond3A_117 = arith.cmpi ne, %convert_element_type3A_115, %cond3A_116 : i32
      scf.if %cond3A_117 {
        %dma_wait3A_154 = arith.constant 0 : i32
        %dma_wait3A_155 = arith.constant 0 : i32
        %dma_wait3A_156 = arith.constant 0 : i32
        %dma_wait3A_157 = tpu.memref_slice %arg3[%dma_wait3A_154, %dma_wait3A_155, %dma_wait3A_156] : memref<2560x2x128xi32, #tpu.memory_space<hbm>> -> memref<1x2x128xi32, #tpu.memory_space<hbm>>
        %dma_wait3A_158 = tpu.memref_squeeze %dma_wait3A_157 : memref<1x2x128xi32, #tpu.memory_space<hbm>> -> memref<2x128xi32, #tpu.memory_space<hbm>>
        %dma_wait3A_159 = arith.constant 0 : i32
        %dma_wait3A_160 = arith.constant 0 : i32
        %dma_wait3A_161 = tpu.memref_slice %arg3[%dma_wait3A_154, %dma_wait3A_159, %dma_wait3A_160] : memref<2560x2x128xi32, #tpu.memory_space<hbm>> -> memref<1x2x128xi32, #tpu.memory_space<hbm>>
        %dma_wait3A_162 = tpu.memref_squeeze %dma_wait3A_161 : memref<1x2x128xi32, #tpu.memory_space<hbm>> -> memref<2x128xi32, #tpu.memory_space<hbm>>
        tpu.wait_dma2 semaphore(%arg15 : memref<!tpu.dma_semaphore, #tpu.memory_space<semaphore_mem>>) src(%dma_wait3A_162 : memref<2x128xi32, #tpu.memory_space<hbm>>) dst(%arg8 : memref<2x128xi32, #tpu.memory_space<vmem>>)
        %dma_start3A_163 = arith.constant 0 : i32
        %dma_start3A_164 = arith.constant 0 : i32
        %dma_start3A_165 = tpu.memref_slice %arg8[%dma_start3A_163, %dma_start3A_164] : memref<2x128xi32, #tpu.memory_space<vmem>> -> memref<1x128xi32, #tpu.memory_space<vmem>>
        %dma_start3A_166 = tpu.memref_squeeze %dma_start3A_165 : memref<1x128xi32, #tpu.memory_space<vmem>> -> memref<128xi32, #tpu.memory_space<vmem>>
        %dma_start3A_167 = arith.constant 0 : i32
        %dma_start3A_168 = arith.constant 0 : i32
        %dma_start3A_169 = tpu.memref_slice %arg2[%dma_start3A_167, %dma_start3A_168] : memref<20016x128xf32, #tpu.memory_space<hbm>> -> memref<20016x128xf32, #tpu.memory_space<hbm>>
        tpu.enqueue_indirect_dma source(%dma_start3A_169 : memref<20016x128xf32, #tpu.memory_space<hbm>>) target(%arg10 : memref<128x128xf32, #tpu.memory_space<vmem>>) offsets(%dma_start3A_166 : memref<128xi32, #tpu.memory_space<vmem>>) semaphore(%arg13 : memref<!tpu.dma_semaphore, #tpu.memory_space<semaphore_mem>>)
      } else {
      }
      %get3A_118 = arith.constant 1 : i32
      %get3A_119 = arith.index_cast %get3A_118 : i32 to index
      %get3A_120 = arith.constant 0 : index
      %get3A_121 = tpu.vector_load %arg9[%get3A_119, %get3A_120] {strides = array<i32>} : memref<2x128xi32, #tpu.memory_space<vmem>>, vector<16xi32>,
      tpu.vector_store_idx %arg12[%get3A_121], %broadcast_in_dim3A_8 {add = true} : memref<10112xf32, #tpu.memory_space<vmem>>[vector<16xi32>], vector<16xf32>,
      %get3A_122 = arith.constant 1 : i32
      %get3A_123 = arith.index_cast %get3A_122 : i32 to index
      %get3A_124 = arith.constant 16 : index
      %get3A_125 = tpu.vector_load %arg9[%get3A_123, %get3A_124] {strides = array<i32>} : memref<2x128xi32, #tpu.memory_space<vmem>>, vector<16xi32>,
      tpu.vector_store_idx %arg12[%get3A_125], %broadcast_in_dim3A_8 {add = true} : memref<10112xf32, #tpu.memory_space<vmem>>[vector<16xi32>], vector<16xf32>,
      %get3A_126 = arith.constant 1 : i32
      %get3A_127 = arith.index_cast %get3A_126 : i32 to index
      %get3A_128 = arith.constant 32 : index
      %get3A_129 = tpu.vector_load %arg9[%get3A_127, %get3A_128] {strides = array<i32>} : memref<2x128xi32, #tpu.memory_space<vmem>>, vector<16xi32>,
      tpu.vector_store_idx %arg12[%get3A_129], %broadcast_in_dim3A_8 {add = true} : memref<10112xf32, #tpu.memory_space<vmem>>[vector<16xi32>], vector<16xf32>,
      %get3A_130 = arith.constant 1 : i32
      %get3A_131 = arith.index_cast %get3A_130 : i32 to index
      %get3A_132 = arith.constant 48 : index
      %get3A_133 = tpu.vector_load %arg9[%get3A_131, %get3A_132] {strides = array<i32>} : memref<2x128xi32, #tpu.memory_space<vmem>>, vector<16xi32>,
      tpu.vector_store_idx %arg12[%get3A_133], %broadcast_in_dim3A_8 {add = true} : memref<10112xf32, #tpu.memory_space<vmem>>[vector<16xi32>], vector<16xf32>,
      %get3A_134 = arith.constant 1 : i32
      %get3A_135 = arith.index_cast %get3A_134 : i32 to index
      %get3A_136 = arith.constant 64 : index
      %get3A_137 = tpu.vector_load %arg9[%get3A_135, %get3A_136] {strides = array<i32>} : memref<2x128xi32, #tpu.memory_space<vmem>>, vector<16xi32>,
      tpu.vector_store_idx %arg12[%get3A_137], %broadcast_in_dim3A_8 {add = true} : memref<10112xf32, #tpu.memory_space<vmem>>[vector<16xi32>], vector<16xf32>,
      %get3A_138 = arith.constant 1 : i32
      %get3A_139 = arith.index_cast %get3A_138 : i32 to index
      %get3A_140 = arith.constant 80 : index
      %get3A_141 = tpu.vector_load %arg9[%get3A_139, %get3A_140] {strides = array<i32>} : memref<2x128xi32, #tpu.memory_space<vmem>>, vector<16xi32>,
      tpu.vector_store_idx %arg12[%get3A_141], %broadcast_in_dim3A_8 {add = true} : memref<10112xf32, #tpu.memory_space<vmem>>[vector<16xi32>], vector<16xf32>,
      %get3A_142 = arith.constant 1 : i32
      %get3A_143 = arith.index_cast %get3A_142 : i32 to index
      %get3A_144 = arith.constant 96 : index
      %get3A_145 = tpu.vector_load %arg9[%get3A_143, %get3A_144] {strides = array<i32>} : memref<2x128xi32, #tpu.memory_space<vmem>>, vector<16xi32>,
      tpu.vector_store_idx %arg12[%get3A_145], %broadcast_in_dim3A_8 {add = true} : memref<10112xf32, #tpu.memory_space<vmem>>[vector<16xi32>], vector<16xf32>,
      %get3A_146 = arith.constant 1 : i32
      %get3A_147 = arith.index_cast %get3A_146 : i32 to index
      %get3A_148 = arith.constant 112 : index
      %get3A_149 = tpu.vector_load %arg9[%get3A_147, %get3A_148] {strides = array<i32>} : memref<2x128xi32, #tpu.memory_space<vmem>>, vector<16xi32>,
      tpu.vector_store_idx %arg12[%get3A_149], %broadcast_in_dim3A_8 {add = true} : memref<10112xf32, #tpu.memory_space<vmem>>[vector<16xi32>], vector<16xf32>,
      %run_scoped3A_150 = arith.constant 1 : i32
      "tpu.region"() ({
        %run_scoped3A_154 = tpu.sem_alloc : memref<!tpu.dma_semaphore, #tpu.memory_space<semaphore_mem>>
        %dma_start3A_155 = arith.constant 0 : i32
        %dma_start3A_156 = tpu.memref_slice %arg9[%run_scoped3A_150, %dma_start3A_155] : memref<2x128xi32, #tpu.memory_space<vmem>> -> memref<1x128xi32, #tpu.memory_space<vmem>>
        %dma_start3A_157 = tpu.memref_squeeze %dma_start3A_156 : memref<1x128xi32, #tpu.memory_space<vmem>> -> memref<128xi32, #tpu.memory_space<vmem>>
        %dma_start3A_158 = arith.constant 0 : i32
        %dma_start3A_159 = arith.constant 0 : i32
        %dma_start3A_160 = tpu.memref_slice %arg17[%dma_start3A_158, %dma_start3A_159] : memref<10112x128xf32, #tpu.memory_space<vmem_shared>> -> memref<10112x128xf32, #tpu.memory_space<vmem_shared>>
        tpu.enqueue_indirect_dma source(%arg11 : memref<128x128xf32, #tpu.memory_space<vmem>>) target(%dma_start3A_160 : memref<10112x128xf32, #tpu.memory_space<vmem_shared>>) offsets(%dma_start3A_157 : memref<128xi32, #tpu.memory_space<vmem>>) semaphore(%run_scoped3A_154 : memref<!tpu.dma_semaphore, #tpu.memory_space<semaphore_mem>>) {add = true}
        %dma_wait3A_161 = arith.constant 0 : i32
        %dma_wait3A_162 = tpu.memref_slice %arg9[%run_scoped3A_150, %dma_wait3A_161] : memref<2x128xi32, #tpu.memory_space<vmem>> -> memref<1x128xi32, #tpu.memory_space<vmem>>
        %dma_wait3A_163 = tpu.memref_squeeze %dma_wait3A_162 : memref<1x128xi32, #tpu.memory_space<vmem>> -> memref<128xi32, #tpu.memory_space<vmem>>
        %dma_wait3A_164 = arith.constant 0 : i32
        %dma_wait3A_165 = arith.constant 0 : i32
        %dma_wait3A_166 = tpu.memref_slice %arg17[%dma_wait3A_164, %dma_wait3A_165] : memref<10112x128xf32, #tpu.memory_space<vmem_shared>> -> memref<10112x128xf32, #tpu.memory_space<vmem_shared>>
        tpu.wait_indirect_dma semaphore(%run_scoped3A_154 : memref<!tpu.dma_semaphore, #tpu.memory_space<semaphore_mem>>) src(%arg11 : memref<128x128xf32, #tpu.memory_space<vmem>>) dst(%dma_wait3A_166 : memref<10112x128xf32, #tpu.memory_space<vmem_shared>>)
        tpu.yield
      }) : () -> ()
      %convert_element_type3A_151 = arith.extui %lt3A_52 : i1 to i32
      %cond3A_152 = arith.constant 0 : i32
      %cond3A_153 = arith.cmpi ne, %convert_element_type3A_151, %cond3A_152 : i32
      scf.if %cond3A_153 {
        %add3A_154 = arith.constant 3 : i32
        %add3A_155 = arith.addi %mul3A_54, %add3A_154 : i32
        %add3A_156 = arith.addi %add3A_5, %add3A_155 : i32
        %dma_start3A_157 = arith.constant 0 : i32
        %dma_start3A_158 = arith.constant 0 : i32
        %dma_start3A_159 = tpu.memref_slice %arg3[%add3A_156, %dma_start3A_157, %dma_start3A_158] : memref<2560x2x128xi32, #tpu.memory_space<hbm>> -> memref<1x2x128xi32, #tpu.memory_space<hbm>>
        %dma_start3A_160 = tpu.memref_squeeze %dma_start3A_159 : memref<1x2x128xi32, #tpu.memory_space<hbm>> -> memref<2x128xi32, #tpu.memory_space<hbm>>
        %dma_start3A_161 = arith.constant 0 : i32
        %dma_start3A_162 = arith.constant 0 : i32
        %dma_start3A_163 = tpu.memref_slice %arg3[%add3A_156, %dma_start3A_161, %dma_start3A_162] : memref<2560x2x128xi32, #tpu.memory_space<hbm>> -> memref<1x2x128xi32, #tpu.memory_space<hbm>>
        %dma_start3A_164 = tpu.memref_squeeze %dma_start3A_163 : memref<1x2x128xi32, #tpu.memory_space<hbm>> -> memref<2x128xi32, #tpu.memory_space<hbm>>
        tpu.enqueue_dma source(%dma_start3A_164 : memref<2x128xi32, #tpu.memory_space<hbm>>) target(%arg9 : memref<2x128xi32, #tpu.memory_space<vmem>>) target_semaphore(%arg16 : memref<!tpu.dma_semaphore, #tpu.memory_space<semaphore_mem>>)
      } else {
      }
    }
    %scan3A_47 = arith.constant 40 : i32
    %barrier3A_48 = arith.constant 0 : index
    tpu.barrier barrier_id(%barrier3A_48)
    "tpu.region"() ({
      %run_scoped3A = tpu.sem_alloc : memref<!tpu.dma_semaphore, #tpu.memory_space<semaphore_mem>>
      %dma_start3A_51 = arith.constant 0 : i32
      %dma_start3A_52 = tpu.memref_slice %arg6[%arg0, %mul3A_7, %dma_start3A_51] : memref<2x10112x128xf32, #tpu.memory_space<hbm>> -> memref<1x632x128xf32, #tpu.memory_space<hbm>>
      %dma_start3A_53 = tpu.memref_squeeze %dma_start3A_52 : memref<1x632x128xf32, #tpu.memory_space<hbm>> -> memref<632x128xf32, #tpu.memory_space<hbm>>
      %dma_start3A_54 = arith.constant 0 : i32
      %dma_start3A_55 = tpu.memref_slice %arg17[%mul3A_7, %dma_start3A_54] : memref<10112x128xf32, #tpu.memory_space<vmem_shared>> -> memref<632x128xf32, #tpu.memory_space<vmem_shared>>
      tpu.enqueue_dma source(%dma_start3A_55 : memref<632x128xf32, #tpu.memory_space<vmem_shared>>) target(%dma_start3A_53 : memref<632x128xf32, #tpu.memory_space<hbm>>) target_semaphore(%run_scoped3A : memref<!tpu.dma_semaphore, #tpu.memory_space<semaphore_mem>>)
      %dma_wait3A_56 = arith.constant 0 : i32
      %dma_wait3A_57 = tpu.memref_slice %arg6[%arg0, %mul3A_7, %dma_wait3A_56] : memref<2x10112x128xf32, #tpu.memory_space<hbm>> -> memref<1x632x128xf32, #tpu.memory_space<hbm>>
      %dma_wait3A_58 = tpu.memref_squeeze %dma_wait3A_57 : memref<1x632x128xf32, #tpu.memory_space<hbm>> -> memref<632x128xf32, #tpu.memory_space<hbm>>
      %dma_wait3A_59 = arith.constant 0 : i32
      %dma_wait3A_60 = tpu.memref_slice %arg17[%mul3A_7, %dma_wait3A_59] : memref<10112x128xf32, #tpu.memory_space<vmem_shared>> -> memref<632x128xf32, #tpu.memory_space<vmem_shared>>
      tpu.wait_dma2 semaphore(%run_scoped3A : memref<!tpu.dma_semaphore, #tpu.memory_space<semaphore_mem>>) src(%dma_wait3A_60 : memref<632x128xf32, #tpu.memory_space<vmem_shared>>) dst(%dma_wait3A_58 : memref<632x128xf32, #tpu.memory_space<hbm>>)
      tpu.yield
    }) : () -> ()
    %mul3A_49 = arith.constant 10112 : i32
    %mul3A_50 = arith.muli %add3A, %mul3A_49 : i32
    "tpu.region"() ({
      %run_scoped3A = tpu.sem_alloc : memref<!tpu.dma_semaphore, #tpu.memory_space<semaphore_mem>>
      %dma_start3A_51 = tpu.memref_slice %arg7[%mul3A_50] : memref<323584xf32, #tpu.memory_space<hbm>> -> memref<10112xf32, #tpu.memory_space<hbm>>
      %dma_start3A_52 = tpu.memref_slice %arg7[%mul3A_50] : memref<323584xf32, #tpu.memory_space<hbm>> -> memref<10112xf32, #tpu.memory_space<hbm>>
      tpu.enqueue_dma source(%arg12 : memref<10112xf32, #tpu.memory_space<vmem>>) target(%dma_start3A_52 : memref<10112xf32, #tpu.memory_space<hbm>>) target_semaphore(%run_scoped3A : memref<!tpu.dma_semaphore, #tpu.memory_space<semaphore_mem>>)
      %dma_wait3A_53 = tpu.memref_slice %arg7[%mul3A_50] : memref<323584xf32, #tpu.memory_space<hbm>> -> memref<10112xf32, #tpu.memory_space<hbm>>
      %dma_wait3A_54 = tpu.memref_slice %arg7[%mul3A_50] : memref<323584xf32, #tpu.memory_space<hbm>> -> memref<10112xf32, #tpu.memory_space<hbm>>
      tpu.wait_dma2 semaphore(%run_scoped3A : memref<!tpu.dma_semaphore, #tpu.memory_space<semaphore_mem>>) src(%arg12 : memref<10112xf32, #tpu.memory_space<vmem>>) dst(%dma_wait3A_54 : memref<10112xf32, #tpu.memory_space<hbm>>)
      tpu.yield
    }) : () -> ()
    return
  }
}

module attributes {stable_mosaic.version = 14 : i64} {
  func.func @body(%arg0: i32, %arg1: memref<2x2048x128xf32, #tpu.memory_space<vmem>>, %arg2: memref<32x2048xf32, #tpu.memory_space<vmem>>, %arg3: memref<2048x256xf32, #tpu.memory_space<vmem>>, %arg4: memref<256x256xf32, #tpu.memory_space<vmem>>, %arg5: memref<256x256xf32, #tpu.memory_space<vmem>>, %arg6: memref<1x256xf32, #tpu.memory_space<vmem>>, %arg7: memref<2048x256xf32, #tpu.memory_space<vmem>>) attributes {dimension_semantics = [#tpu.dimension_semantics<arbitrary>], iteration_bounds = array<i64: 5>, scalar_prefetch = 0 : i64, scratch_operands = 0 : i64, tpu.core_type = #tpu.core_type<tc>, window_params = [{transform_indices = @transform_0, window_bounds = array<i64: 2, 2048, 128>}, {transform_indices = @transform_1, window_bounds = array<i64: 32, 2048>}, {transform_indices = @transform_2, window_bounds = array<i64: 2048, 256>}, {pipeline_mode = #tpu.pipeline_mode<synchronous>, transform_indices = @transform_3, window_bounds = array<i64: 256, 256>}, {pipeline_mode = #tpu.pipeline_mode<synchronous>, transform_indices = @transform_4, window_bounds = array<i64: 256, 256>}, {pipeline_mode = #tpu.pipeline_mode<synchronous>, transform_indices = @transform_5, window_bounds = array<i64: 1, 256>}, {transform_indices = @transform_6, window_bounds = array<i64: 2048, 256>}]} {
    %get3A = arith.constant 0 : index
    %get3A_0 = arith.constant 0 : index
    %get3A_1 = arith.constant 0 : index
    %get3A_2 = vector.load %arg1[%get3A, %get3A_0, %get3A_1] : memref<2x2048x128xf32, #tpu.memory_space<vmem>>, vector<1x2048x128xf32>
    %get3A_3 = vector.shape_cast %get3A_2 : vector<1x2048x128xf32> to vector<2048x128xf32>
    %get3A_4 = arith.constant 1 : index
    %get3A_5 = arith.constant 0 : index
    %get3A_6 = arith.constant 0 : index
    %get3A_7 = vector.load %arg1[%get3A_4, %get3A_5, %get3A_6] : memref<2x2048x128xf32, #tpu.memory_space<vmem>>, vector<1x2048x128xf32>
    %get3A_8 = vector.shape_cast %get3A_7 : vector<1x2048x128xf32> to vector<2048x128xf32>
    %concatenate3A = tpu.concatenate %get3A_3, %get3A_8 in 1 : vector<2048x128xf32>, vector<2048x128xf32> -> vector<2048x256xf32>
    %get3A_9 = arith.constant 0 : index
    %get3A_10 = arith.constant 0 : index
    %get3A_11 = vector.load %arg2[%get3A_9, %get3A_10] : memref<32x2048xf32, #tpu.memory_space<vmem>>, vector<32x2048xf32>
    %reduce_sum3A = arith.constant dense<0.000000e+00> : vector<2048xf32>
    %reduce_sum3A_12 = vector.multi_reduction <add>, %get3A_11, %reduce_sum3A [0] : vector<32x2048xf32> to vector<2048xf32>
    %broadcast_in_dim3A = vector.shape_cast %reduce_sum3A_12 : vector<2048xf32> to vector<1x2048xf32>
    %mul3A = arith.constant 5.000000e-01 : f32
    %mul3A_13 = vector.broadcast %mul3A : f32 to vector<1x2048xf32>
    %mul3A_14 = arith.mulf %broadcast_in_dim3A, %mul3A_13 : vector<1x2048xf32>
    %max3A = arith.constant 1.000000e+00 : f32
    %max3A_15 = vector.broadcast %max3A : f32 to vector<1x2048xf32>
    %max3A_16 = arith.maximumf %mul3A_14, %max3A_15 : vector<1x2048xf32>
    %div3A = arith.constant 1.000000e+00 : f32
    %div3A_17 = vector.broadcast %div3A : f32 to vector<1x2048xf32>
    %div3A_18 = arith.divf %div3A_17, %max3A_16 : vector<1x2048xf32>
    %reshape3A = vector.shape_cast %div3A_18 : vector<1x2048xf32> to vector<2048x1xf32>
    %mul3A_19 = vector.broadcast %reshape3A : vector<2048x1xf32> to vector<2048x256xf32>
    %mul3A_20 = arith.mulf %concatenate3A, %mul3A_19 : vector<2048x256xf32>
    %get3A_21 = arith.constant 0 : index
    %get3A_22 = arith.constant 0 : index
    %get3A_23 = vector.load %arg4[%get3A_21, %get3A_22] : memref<256x256xf32, #tpu.memory_space<vmem>>, vector<256x256xf32>
    %dot_general3A = arith.constant dense<0.000000e+00> : vector<2048x256xf32>
    %dot_general3A_24 = tpu.matmul %mul3A_20, %get3A_23, %dot_general3A {dimension_numbers = #tpu.dot_dimension_numbers<[1], [0], [0], [1], [0, 0, 1, 1], [], []>, transpose_lhs_hint = false} : vector<2048x256xf32>, vector<256x256xf32>, vector<2048x256xf32> -> vector<2048x256xf32>
    %get3A_25 = arith.constant 0 : index
    %get3A_26 = arith.constant 0 : index
    %get3A_27 = vector.load %arg3[%get3A_25, %get3A_26] : memref<2048x256xf32, #tpu.memory_space<vmem>>, vector<2048x256xf32>
    %get3A_28 = arith.constant 0 : index
    %get3A_29 = arith.constant 0 : index
    %get3A_30 = vector.load %arg5[%get3A_28, %get3A_29] : memref<256x256xf32, #tpu.memory_space<vmem>>, vector<256x256xf32>
    %dot_general3A_31 = arith.constant dense<0.000000e+00> : vector<2048x256xf32>
    %dot_general3A_32 = tpu.matmul %get3A_27, %get3A_30, %dot_general3A_31 {dimension_numbers = #tpu.dot_dimension_numbers<[1], [0], [0], [1], [0, 0, 1, 1], [], []>, transpose_lhs_hint = false} : vector<2048x256xf32>, vector<256x256xf32>, vector<2048x256xf32> -> vector<2048x256xf32>
    %add3A = arith.addf %dot_general3A_24, %dot_general3A_32 : vector<2048x256xf32>
    %get3A_33 = arith.constant 0 : index
    %get3A_34 = arith.constant 0 : index
    %get3A_35 = vector.load %arg6[%get3A_33, %get3A_34] : memref<1x256xf32, #tpu.memory_space<vmem>>, vector<1x256xf32>
    %add3A_36 = vector.broadcast %get3A_35 : vector<1x256xf32> to vector<2048x256xf32>
    %add3A_37 = arith.addf %add3A, %add3A_36 : vector<2048x256xf32>
    %swap3A = arith.constant 0 : index
    %swap3A_38 = arith.constant 0 : index
    %swap3A_39 = vector.load %arg7[%swap3A, %swap3A_38] : memref<2048x256xf32, #tpu.memory_space<vmem>>, vector<2048x256xf32>
    tpu.vector_store %arg7[%swap3A, %swap3A_38], %add3A_37 {strides = array<i32>} : memref<2048x256xf32, #tpu.memory_space<vmem>>, vector<2048x256xf32>,
    return
  }
  func.func @transform_0(%arg0: i32) -> (i32, i32, i32) {
    %c0_i32 = arith.constant 0 : i32
    %c0_i32_0 = arith.constant 0 : i32
    %c0_i32_1 = arith.constant 0 : i32
    return %c0_i32, %arg0, %c0_i32_0 : i32, i32, i32
  }
  func.func @transform_1(%arg0: i32) -> (i32, i32) {
    %c0_i32 = arith.constant 0 : i32
    %c0_i32_0 = arith.constant 0 : i32
    return %c0_i32, %arg0 : i32, i32
  }
  func.func @transform_2(%arg0: i32) -> (i32, i32) {
    %c0_i32 = arith.constant 0 : i32
    %c0_i32_0 = arith.constant 0 : i32
    return %arg0, %c0_i32 : i32, i32
  }
  func.func @transform_3(%arg0: i32) -> (i32, i32) {
    %c0_i32 = arith.constant 0 : i32
    %c0_i32_0 = arith.constant 0 : i32
    %c0_i32_1 = arith.constant 0 : i32
    return %c0_i32, %c0_i32_0 : i32, i32
  }
  func.func @transform_4(%arg0: i32) -> (i32, i32) {
    %c0_i32 = arith.constant 0 : i32
    %c0_i32_0 = arith.constant 0 : i32
    %c0_i32_1 = arith.constant 0 : i32
    return %c0_i32, %c0_i32_0 : i32, i32
  }
  func.func @transform_5(%arg0: i32) -> (i32, i32) {
    %c0_i32 = arith.constant 0 : i32
    %c0_i32_0 = arith.constant 0 : i32
    %c0_i32_1 = arith.constant 0 : i32
    return %c0_i32, %c0_i32_0 : i32, i32
  }
  func.func @transform_6(%arg0: i32) -> (i32, i32) {
    %c0_i32 = arith.constant 0 : i32
    %c0_i32_0 = arith.constant 0 : i32
    return %arg0, %c0_i32 : i32, i32
  }
}

</mosaic_0001>

<sc_bundles>
// kernel: kernel.4.cloned.1.call-start
scs
__scs_entry_jumppad:
0x0: {  	(pc) =	sbr.rel $0x88, $3  }
0x1: {  	(tag) =	ssettag $0x0;
	lr =	simm.s32 $0x1  }
0x2: {  	[smem:$0x3F9C] =	sst lr;
	_ =	strace $0xD0000000  }
0x3: {  	_ = 	snop  }
0x4: {  	_ = 	snop  }
0x5: {  	_ = 	snop  }
0x6: {  	_ = 	snop  }
0x7: {  	_ = 	snop  }
__scs_overlays_trampoline_lowered:
0x8: {  	[smem:$0x3FAB] =	sst s0  }
0x9: {  	[smem:$0x3FAC] =	sst s1  }
0xa: {  	[smem:$0x3FAD] =	sst s2  }
0xb: {  	[smem:$0x3FAE] =	sst s3  }
0xc: {  	[smem:$0x3FAF] =	sst s4  }
0xd: {  	[smem:$0x3FB0] =	sst s5  }
0xe: {  	[smem:$0x3FB1] =	sst s6  }
0xf: {  	[smem:$0x3FB2] =	sst s7  }
0x10: {  	[smem:$0x3FB3] =	sst s8  }
0x11: {  	[smem:$0x3FB4] =	sst s9;
	s0 =	simm.s32 @!p0 $0x0  }
0x12: {  	s1 =	sld [smem:$0x3F9A];
	s0 =	simm.s32 @p0 $0x1  }
0x13: {  	[smem:$0x3FB5] =	sst s0;
	s0 =	simm.s32 @!p1 $0x0  }
0x14: {  	s2 =	sld [smem:$0x3F99];
	s0 =	simm.s32 @p1 $0x1  }
0x15: {  	[smem:$0x3FB6] =	sst s0;
	s0 =	simm.s32 @!p2 $0x0  }
0x16: {  	s3 =	sld [smem:$0x3FDB];
	s0 =	simm.s32 @p2 $0x1  }
0x17: {  	s4 =	simm.s32 $0x1BF5;
	[smem:$0x3FB8] =	sst s0  }
0x18: {  	s0 =	sld [smem:$0x3F9B];
	_ =	swait.ge [sflag:s4], $0x0  }
0x19: {  	s7 =	sld [smem:$0x3F9C]  }
0x1a: {  	s8 =	sadd.s32 $0xFFFFE003, lr  }
0x1b: {  	s9 =	sadd.s32 $0xFFFFFEF7, lr;
	s5 =	simm.s32 $0xFFFFFFFF;
	p2 =	slt.u32 s8, $0xFFFFF086  }
0x1c: {  	p1 =	slt.u32 s9, $0xF7A;
	s5 =	simm.s32 @!p2 $0x0  }
0x1d: {  	s5 =	simm.s32 @p1 $0x1;
	p0 =	seq.s32 s7, s2  }
0x1e: {  	s7 =	smul.u32 @!p0 $0xF7A, s2;
	p2 =	seq.s32 @!p0 s5, $0x0  }
0x1f: {  	s9 =	smul.u32 $0xF7A, s1;
	s8 =	simm.s32 @!p0 $0x1BF5;
	p2 =	por !p2, p0  }
0x20: {  	[sflag:s8] =	ssyncset.s32 @!p0 $0xFFFFF086;
	s6 =	sadd.s32 @!p0 s3, s7;
	s7 =	simm.s32 @!p0 $0x108  }
0x21: {  	s3 =	sadd.s32 s3, s9;
	s6 =	sadd.s32 @!p0 $0x88, s6;
	s7 =	simm.s32 @p2 $0x1082  }
0x22: {  	[simem:s7], [sflag:s8] =	dma.local @!p0 [hbm:s6], $0xF7A  }
0x23: {  	s9 =	sor.u32 $0xD0000000, s2;
	s6 =	simm.s32 $0x108;
	_ =	swait.ge @!p0 [sflag:s8], $0x0  }
0x24: {  	s3 =	sadd.s32 $0x88, s3;
	s6 =	simm.s32 @!p1 $0x1082;
	[sflag:s4] =	ssyncset.s32 $0xFFFFF086  }
0x25: {  	[simem:s6], [sflag:s4] =	dma.local [hbm:s3], $0xF7A  }
0x26: {  	[smem:$0x3F9C] =	sst s1;
	(tag) =	ssettag s2;
	_ =	strace s9  }
0x27: {  	s1 =	sld [smem:$0x3FAC]  }
0x28: {  	s2 =	sld [smem:$0x3FAD]  }
0x29: {  	s4 =	sld [smem:$0x3FAF]  }
0x2a: {  	p0 =	seq.s32 s5, $0x0;
	s5 =	sld [smem:$0x3FB0]  }
0x2b: {  	s6 =	sld [smem:$0x3FB1]  }
0x2c: {  	s7 =	sld [smem:$0x3FB2]  }
0x2d: {  	s3 =	simm.s32 $0x108;
	s8 =	sld [smem:$0x3FB3]  }
0x2e: {  	s3 =	simm.s32 @!p0 $0x1082;
	s9 =	sld [smem:$0x3FB4]  }
0x2f: {  	lr =	sadd.s32 s0, s3;
	s0 =	sld [smem:$0x3FAB]  }
0x30: {  	s3 =	sld [smem:$0x3FAE]  }
0x31: {  	[smem:$0x3FB7] =	sst s10  }
0x32: {  	s10 =	sld [smem:$0x3FB5];
	_ =	sdelay $0x3  }
0x33: {  	p0 =	seq.s32 s10, $0x1;
	s10 =	sld [smem:$0x3FB7];
	_ =	sdelay $0x3  }
0x34: {  	[smem:$0x3FB7] =	sst s10  }
0x35: {  	s10 =	sld [smem:$0x3FB6];
	_ =	sdelay $0x3  }
0x36: {  	p1 =	seq.s32 s10, $0x1;
	s10 =	sld [smem:$0x3FB7];
	_ =	sdelay $0x3  }
0x37: {  	[smem:$0x3FB7] =	sst s10  }
0x38: {  	s10 =	sld [smem:$0x3FB8]  }
0x39: {  	_ = 	snop;
	(pc) =	sbr.ind lr, $3  }
0x3a: {  	_ = 	snop  }
0x3b: {  	_ = 	snop  }
0x3c: {  	p2 =	seq.s32 s10, $0x1;
	s10 =	sld [smem:$0x3FB7]  }
0x3d: {  	_ =	shalt  }
0x3e: {  	_ =	shalt  }
0x3f: {  	_ =	shalt  }
0x40: {  	_ =	shalt  }
0x41: {  	_ =	shalt  }
0x42: {  	_ =	shalt  }
0x43: {  	_ =	shalt  }
0x44: {  	_ =	shalt  }
0x45: {  	_ =	shalt  }
0x46: {  	_ =	shalt  }
0x47: {  	_ =	shalt  }
0x48: {  	_ =	shalt  }
0x49: {  	_ =	shalt  }
0x4a: {  	_ =	shalt  }
0x4b: {  	_ =	shalt  }
0x4c: {  	_ =	shalt  }
0x4d: {  	_ =	shalt  }
0x4e: {  	_ =	shalt  }
0x4f: {  	_ =	shalt  }
0x50: {  	_ =	shalt  }
0x51: {  	_ =	shalt  }
0x52: {  	_ =	shalt  }
0x53: {  	_ =	shalt  }
0x54: {  	_ =	shalt  }
0x55: {  	_ =	shalt  }
0x56: {  	_ =	shalt  }
0x57: {  	_ =	shalt  }
0x58: {  	_ =	shalt  }
0x59: {  	_ =	shalt  }
0x5a: {  	_ =	shalt  }
0x5b: {  	_ =	shalt  }
0x5c: {  	_ =	shalt  }
0x5d: {  	_ =	shalt  }
0x5e: {  	_ =	shalt  }
0x5f: {  	_ =	shalt  }
0x60: {  	_ =	shalt  }
0x61: {  	_ =	shalt  }
0x62: {  	_ =	shalt  }
0x63: {  	_ =	shalt  }
0x64: {  	_ =	shalt  }
0x65: {  	_ =	shalt  }
0x66: {  	_ =	shalt  }
0x67: {  	_ =	shalt  }
0x68: {  	_ =	shalt  }
0x69: {  	_ =	shalt  }
0x6a: {  	_ =	shalt  }
0x6b: {  	_ =	shalt  }
0x6c: {  	_ =	shalt  }
0x6d: {  	_ =	shalt  }
0x6e: {  	_ =	shalt  }
0x6f: {  	_ =	shalt  }
0x70: {  	_ =	shalt  }
0x71: {  	_ =	shalt  }
0x72: {  	_ =	shalt  }
0x73: {  	_ =	shalt  }
0x74: {  	_ =	shalt  }
0x75: {  	_ =	shalt  }
0x76: {  	_ =	shalt  }
0x77: {  	_ =	shalt  }
0x78: {  	_ =	shalt  }
0x79: {  	_ =	shalt  }
0x7a: {  	_ =	shalt  }
0x7b: {  	_ =	shalt  }
0x7c: {  	_ =	shalt  }
0x7d: {  	_ =	shalt  }
0x7e: {  	_ =	shalt  }
0x7f: {  	_ =	shalt  }
0x80: {  	_ =	shalt  }
0x81: {  	_ =	shalt  }
0x82: {  	_ =	shalt  }
0x83: {  	_ =	shalt  }
0x84: {  	_ =	shalt  }
0x85: {  	_ =	shalt  }
0x86: {  	_ =	shalt  }
0x87: {  	_ =	shalt  }
.Lfunc_end0:
.L_simem_size_0:
called_computation_lowered:
.L_overlay_start_0:
0x88: {  	s2 =	sld [smem:$0x3FD9]  }
0x89: {  	s3 =	sld [smem:$0x3FFE];
	_ =	sdelay $0x1  }
0x8a: {  	s1 =	srdreg.scid  }
0x8b: {  	s0 =	sand.u32 $0x1, s1  }
0x8c: {  	s17 =	sshll.u32 s0, $0xA;
	s2 =	sadd.s32 s3, s2  }
0x8d: {  	s2 =	sadd.s32 s2, s17  }
0x8e: {  	[smem:$0x3FC3] =	sst s2  }
0x8f: {  	_ = 	snop  }
0x90: {  	s2 =	sld [smem:$0x3FD0];
	(tm) =	ssettm $0x1  }
0x91: {  	s18 =	sld [smem:$0x3FFB];
	_ =	sdelay $0x3  }
0x92: {  	_ =	strace s18  }
0x93: {  	s3 =	sld [smem:$0x3FFC];
	_ =	sdelay $0x3  }
0x94: {  	_ =	strace s3  }
0x95: {  	s3 =	sld [smem:$0x3FFD];
	_ =	sdelay $0x3  }
0x96: {  	_ =	strace s3  }
0x97: {  	_ =	strace $0x8FFFFFFF  }
0x98: {  	s19 =	sld [smem:$0x3FDB];
	_ =	sdelay $0x1  }
0x99: {  	s4 =	simm.s32 $_scs_section_size  }
0x9a: {  	s5 =	simm.s32 $_size__tile_overlayer_lowered;
	s6 =	simm.s32 $_tile_overlayer_lowered  }
0x9b: {  	s22 =	simm.s32 $0x1BFF;
	s21 =	sshll.u32 s6, $0x1;
	s3 =	sadd.s32 s4, s19  }
0x9c: {  	s7 =	simm.s32 $0x0;
	s20 =	sshll.u32 s5, $0x1;
	s5 =	sadd.s32 s21, s3  }
0x9d: {  	[timem:s7], [sflag:s22] =	dma.local [hbm:s5], s20  }
0x9e: {  	_ =	swait.ge [sflag:s22], s20  }
0x9f: {  	s4 =	ssub.s32 $0x0, s20;
	[sflag:s22] =	ssyncset.done $0x0  }
0xa0: {  	[sflag:s22] =	ssyncadd.s32 s4;
	_ =	sdelay $0x1  }
0xa1: {  	s23 =	simm.s32 $0x1B8B  }
0xa2: {  	_ =	swait.ge [sflag:s23], $0x1  }
0xa3: {  	[sflag:s23] =	ssyncset.done $0x0  }
0xa4: {  	s25 =	simm.s32 $0x1B8E;
	s24 =	sld [smem:$0x3FFE];
	[sflag:s23] =	ssyncadd.s32 $0xFFFFFFFF  }
0xa5: {  	s26 =	simm.s32 $execute0_lowered;
	[smem:$0x3FD2] =	sst s25  }
0xa6: {  	s5 =	sshll.u32 s26, $0x1;
	_ =	strace $0x80000046;
	[dreg:$0x1] =	wrdreg $0xFFFFFFFF  }
0xa7: {  	s28 =	simm.s32 $_size_execute0_lowered;
	s3 =	sadd.s32 s3, s5;
	[dreg:$0x0] =	wrdreg $0x0  }
0xa8: {  	s5 =	sshll.u32 s28, $0x1;
	[dreg:$0x2] =	wrdreg s3  }
0xa9: {  	[dreg:$0x3] =	wrdreg s5  }
0xaa: {  	[dreg:$0x4] =	wrdreg $0xC0  }
0xab: {  	_ =	task [dreg:s7], $0x5FFFF  }
0xac: {  	[dreg:$0x1] =	wrdreg $0xFFFFFFFF  }
0xad: {  	[dreg:$0x0] =	wrdreg $0x60  }
0xae: {  	[dreg:$0x2] =	wrdreg s24  }
0xaf: {  	[dreg:$0x3] =	wrdreg s2  }
0xb0: {  	[dreg:$0x4] =	wrdreg $0xA9800  }
0xb1: {  	[dreg:$0x5] =	wrdreg $0x9  }
0xb2: {  	_ =	task.clear_ibuf [dreg:s7], $0x6FFFF;
	_ =	strace $0x90000046  }
0xb3: {  	s29 =	simm.s32 $0x9;
	_ =	strace $0x80000048  }
0xb4: {  	_ =	swait.ge [sflag:s29], $0x1  }
0xb5: {  	[sflag:s29] =	ssyncadd.s32 $0xFFFFFFFF  }
0xb6: {  	_ =	strace $0x90000048  }
0xb7: {  	_ =	sfence  }
0xb8: {  	s30 =	sld [smem:$0x0];
	_ =	sdelay $0x2  }
0xb9: {  	s31 =	sshll.u32 s1, $0xD;
	s1 =	sshrl.u32 s1, $0x2  }
0xba: {  	s3 =	sand.u32 $0x4000, s31;
	s1 =	sadd.s32 s1, s30  }
0xbb: {  	s0 =	sor.u32 s3, s0;
	s1 =	sshll.u32 s1, $0x11  }
0xbc: {  	s0 =	sor.u32 s1, s0  }
0xbd: {  	s0 =	sadd.s32 $0x8F2B, s0  }
0xbe: {  	[sflag:s0] =	ssyncadd.remote.s32 $0x1  }
0xbf: {  	_ =	sfence.sel $0xFFFF  }
0xc0: {  	[dreg:$0x0] =	wrdreg $0xFFFFFFFF;
	(pc) =	sbr.abs _section_cstart, $3  }
0xc1: {  	[dreg:$0x1] =	wrdreg $0xFFFFFFFF  }
0xc2: {  	_ =	task.clear_ibuf [dreg:s7], $0x2FFFF;
	_ =	strace $0x9FFFFFFF  }
0xc3: {  	(tm) =	ssettm $0x7FFFFFFF  }
tec
execute0_lowered:
.L_overlay_start_1:
0x0: {  	(tag) =	ssettag $0x1  }
0x1: {  	s7 =	rddreg [dreg:$0x0]  }
0x2: {  	s11 =	rddreg [dreg:$0x1]  }
0x3: {  	s2 =	rddreg [dreg:$0x2];
	s1 =	stileid.u32  }
0x4: {  	s3 =	srdreg.scid;
	s9 =	smul.u32 $0x13C00, s1  }
0x5: {  	s0 =	rddreg [dreg:$0x3];
	s13 =	smul.u32 $0x4F000, s1  }
0x6: {  	s18 =	simm.s32 $0x3;
	s19 =	simm.s32 $0x80;
	s15 =	smul.u32 $0x50, s1  }
0x7: {  	s20 =	simm.s32 $0x200;
	s8 =	sand.u32 $0x1, s3;
	s17 =	smul.u32 $0xA00, s1  }
0x8: {  	s3 =	simm.s32 $0x0;
	s4 =	sshll.u32 s1, $0x1;
	s6 =	smul.u32 $0x13C000, s8  }
0x9: {  	s28 =	sshll.u32 s1, $0x6;
	[smem:$0x7FF] =	sst s3;
	s12 =	smul.u32 $0x500, s8  }
0xa: {  	s5 =	sor.u32 s8, s4;
	s4 =	sadd.s32 $0x1400, s7;
	s30 =	smul.u32 $0xA000, s8  }
0xb: {  	s21 =	ssub.s32 $0x2, s8;
	_ =	strace $0x80000047;
	s10 =	smul.u32 $0x4F0, s5  }
0xc: {  	s5 =	sadd.s32 $0x4FE00, s7;
	s22 =	sshrl.u32 s21, $0x1;
	s23 =	sshrl.u32 s13, $0x2  }
0xd: {  	s9 =	sadd.s32 s9, s6;
	s6 =	sadd.s32 $0x4F800, s7;
	s24 =	ssub.s32 s21, s22  }
0xe: {  	s25 =	sadd.s32 s15, s12;
	s26 =	sadd.s32 s23, s2;
	s31 =	sadd.s32 s30, s11  }
0xf: {  	s15 =	simm.s32 $0x5;
	s21 =	simm.s32 $0x1;
	s22 =	simm.s32 $0x4  }
0x10: {  	s23 =	simm.s32 $0x4200;
	s9 =	sshrl.u32 s9, $0x3;
	s16 =	sadd.s32 s10, s7  }
.Ltmp0:
0x11: {  	s29 =	sshll.u32 s25, $0x5;
	s12 =	smax.u32 s24, $0x1;
	(pc) =	sbr.rel .LBB2_1-.Ltmp0, $4  }
0x12: {  	s13 =	sadd.s32 s17, s31;
	s17 =	simm.s32 $0x100;
	s24 =	simm.s32 $0x180  }
0x13: {  	s25 =	simm.s32 $0x0;
	s14 =	sadd.s32 s9, s7;
	s7 =	sor.u32 $0x1C05, s28  }
0x14: {  	s8 =	sadd.s32 s11, s29;
	s11 =	sadd.s32 $0x52600, s16;
	s16 =	simm.s32 $0x8200  }
0x15: {  	v0 =	vimm.f32 $1.000000000e+00;
	s9 =	sadd.s32 $0x20, s8;
	s10 =	sadd.s32 $0x5C400, s14;
	s14 =	sshrl.u32 s26, $0x3  }
.LBB2_4:
0x16: {  	[bflag:$0x0] =	sbarrier.arrive $0xFFFF  }
0x17: {  	[hbm:s10], [sflag:s7] =	dma.local [spmem:s14], $0x2780  }
0x18: {  	s25 =	sadd.s32 $0x1, s25;
	_ =	swait.ge [sflag:s15], $0x2780  }
0x19: {  	p0 =	sne.s32 s25, s12;
	[sflag:s15] =	ssyncset.done $0x0  }
.Ltmp1:
0x1a: {  	[sflag:s15] =	ssyncadd.s32 $0xFFFFD880;
	(pc) =	sbr.rel @!p0 .LBB2_5-.Ltmp1, $4  }
0x1b: {  	[hbm4b:s11+s3] =	stream.linear.scatter [tilespmem:s16], [sflag:$0x5], $0x2780, $0x38;
	[tilespmem:$0x1E580] =	vst v63  }
0x1c: {  	_ =	swait.ge [sflag:s15], $0x2780  }
0x1d: {  	[sflag:s15] =	ssyncset.done $0x0  }
0x1e: {  	[sflag:s15] =	ssyncadd.s32 $0xFFFFD880  }
.LBB2_1:
0x1f: {  	[spmem:s14], [sflag:s7] =	dma.local [hbm:s5], $0x2780  }
0x20: {  	_ =	swait.ge [sflag:s15], $0x2780  }
0x21: {  	[sflag:s15] =	ssyncset.done $0x0  }
0x22: {  	[sflag:s15] =	ssyncadd.s32 $0xFFFFD880  }
0x23: {  	[tilespmem:s16], [sflag:$0x5] =	stream.linear.gather [hbm4b:s6+s3], $0x2780, $0x38;
	[tilespmem:$0x1E580] =	vst v63  }
0x24: {  	_ =	swait.ge [sflag:s15], $0x2780  }
0x25: {  	[sflag:s15] =	ssyncset.done $0x0  }
0x26: {  	[sflag:s15] =	ssyncadd.s32 $0xFFFFD880  }
0x27: {  	[bflag:$0x0] =	sbarrier.arrive $0xFFFF  }
0x28: {  	[tilespmem:s3], [sflag:$0x3] =	stream.linear.gather [hbm4b:s8+s3], $0x100, $0x38;
	[tilespmem:$0x1E580] =	vst v63  }
0x29: {  	_ = 	snop  }
0x2a: {  	[tilespmem:s17], [sflag:$0x4] =	stream.linear.gather [hbm4b:s9+s3], $0x100, $0x38;
	[tilespmem:$0x1E580] =	vst v63  }
0x2b: {  	_ =	swait.ge [sflag:s18], $0x100  }
0x2c: {  	[sflag:s18] =	ssyncset.done $0x0  }
0x2d: {  	s26 =	simm.s32 $0xFFFFF640;
	[sflag:s18] =	ssyncadd.s32 $0xFFFFFF00  }
0x2e: {  	[tilespmem:s20], [sflag:$0x1] =	stream.indirect.gather [hbm4b:s4+s19], $0x80, s3, s19, $0xb8;
	[tilespmem:$0x1E580] =	vst v63  }
.LBB2_2:
0x2f: {  	_ =	swait.ge [sflag:s21], $0x4000  }
0x30: {  	[sflag:s21] =	ssyncset.done $0x0  }
0x31: {  	[sflag:s21] =	ssyncadd.s32 $0xFFFFC000  }
0x32: {  	_ =	swait.ge [sflag:s22], $0x100  }
0x33: {  	[sflag:s22] =	ssyncset.done $0x0  }
0x34: {  	[sflag:s22] =	ssyncadd.s32 $0xFFFFFF00  }
0x35: {  	[tilespmem:s23], [sflag:$0x2] =	stream.indirect.gather [hbm4b:s4+s19], $0x80, s17, s19, $0xb8;
	[tilespmem:$0x1E580] =	vst v63  }
0x36: {  	v1 =	vld [tilespmem:$0x80];
	_ =	sdelay $0x7  }
0x37: {  	[tilespmem:v1+s16+$0x0] =	vst.idx.add.f32.msk $0xffff, v0  }
0x38: {  	v1 =	vld [tilespmem:$0x90];
	_ =	sdelay $0x7  }
0x39: {  	[tilespmem:v1+s16+$0x0] =	vst.idx.add.f32.msk $0xffff, v0  }
0x3a: {  	v1 =	vld [tilespmem:$0xA0];
	_ =	sdelay $0x7  }
0x3b: {  	[tilespmem:v1+s16+$0x0] =	vst.idx.add.f32.msk $0xffff, v0  }
0x3c: {  	v1 =	vld [tilespmem:$0xB0];
	_ =	sdelay $0x7  }
0x3d: {  	[tilespmem:v1+s16+$0x0] =	vst.idx.add.f32.msk $0xffff, v0  }
0x3e: {  	v1 =	vld [tilespmem:$0xC0];
	_ =	sdelay $0x7  }
0x3f: {  	[tilespmem:v1+s16+$0x0] =	vst.idx.add.f32.msk $0xffff, v0  }
0x40: {  	v1 =	vld [tilespmem:$0xD0];
	_ =	sdelay $0x7  }
0x41: {  	[tilespmem:v1+s16+$0x0] =	vst.idx.add.f32.msk $0xffff, v0  }
0x42: {  	v1 =	vld [tilespmem:$0xE0];
	_ =	sdelay $0x7  }
0x43: {  	[tilespmem:v1+s16+$0x0] =	vst.idx.add.f32.msk $0xffff, v0  }
0x44: {  	v1 =	vld [tilespmem:$0xF0];
	_ =	sdelay $0x7  }
0x45: {  	[tilespmem:v1+s16+$0x0] =	vst.idx.add.f32.msk $0xffff, v0  }
0x46: {  	[spmem:s2] =	stream.indirect.scatter.add.f32 [tilespmem:s20], [sflag:$0x5], $0x80, s19, s19, $0xb8;
	[tilespmem:$0x1E580] =	vst v63  }
0x47: {  	_ =	swait.ge [sflag:s15], $0x4000  }
0x48: {  	p0 =	seq.s32 s26, $0x0;
	[sflag:s15] =	ssyncset.done $0x0  }
0x49: {  	s28 =	simm.s32 @p0 $0x2;
	[sflag:s15] =	ssyncadd.s32 $0xFFFFC000  }
0x4a: {  	_ =	swait.ge @p0 [sflag:s28], $0x4000  }
0x4b: {  	s29 =	sadd.s32 @!p0 s26, s13;
	[sflag:s28] =	ssyncset.done @p0 $0x0  }
0x4c: {  	[sflag:s28] =	ssyncadd.s32 @p0 $0xFFFFC000;
	s28 =	sadd.s32 @!p0 $0xA00, s29;
	s29 =	simm.s32 @!p0 $0x0  }
0x4d: {  	[tilespmem:s29], [sflag:$0x3] =	stream.linear.gather @!p0 [hbm4b:s28+s29], $0x100, $0x38;
	[tilespmem:$0x1E580] =	vst v63  }
0x4e: {  	s28 =	simm.s32 @!p0 $0x2  }
0x4f: {  	_ =	swait.ge @!p0 [sflag:s28], $0x4000  }
0x50: {  	[sflag:s28] =	ssyncset.done @!p0 $0x0  }
0x51: {  	[sflag:s28] =	ssyncadd.s32 @!p0 $0xFFFFC000;
	s28 =	simm.s32 @!p0 $0x3  }
0x52: {  	_ =	swait.ge @!p0 [sflag:s28], $0x100  }
0x53: {  	[sflag:s28] =	ssyncset.done @!p0 $0x0  }
0x54: {  	s30 =	simm.s32 @!p0 $0x200;
	[sflag:s28] =	ssyncadd.s32 @!p0 $0xFFFFFF00;
	s28 =	simm.s32 @!p0 $0x80  }
0x55: {  	[tilespmem:s30], [sflag:$0x1] =	stream.indirect.gather @!p0 [hbm4b:s4+s28], $0x80, s29, s28, $0xb8;
	[tilespmem:$0x1E580] =	vst v63  }
0x56: {  	v1 =	vld [tilespmem:$0x180];
	_ =	sdelay $0x7  }
0x57: {  	[tilespmem:v1+s16+$0x0] =	vst.idx.add.f32.msk $0xffff, v0  }
0x58: {  	v1 =	vld [tilespmem:$0x190];
	_ =	sdelay $0x7  }
0x59: {  	[tilespmem:v1+s16+$0x0] =	vst.idx.add.f32.msk $0xffff, v0  }
0x5a: {  	v1 =	vld [tilespmem:$0x1A0];
	_ =	sdelay $0x7  }
0x5b: {  	[tilespmem:v1+s16+$0x0] =	vst.idx.add.f32.msk $0xffff, v0  }
0x5c: {  	v1 =	vld [tilespmem:$0x1B0];
	_ =	sdelay $0x7  }
0x5d: {  	[tilespmem:v1+s16+$0x0] =	vst.idx.add.f32.msk $0xffff, v0  }
0x5e: {  	v1 =	vld [tilespmem:$0x1C0];
	_ =	sdelay $0x7  }
0x5f: {  	[tilespmem:v1+s16+$0x0] =	vst.idx.add.f32.msk $0xffff, v0  }
0x60: {  	v1 =	vld [tilespmem:$0x1D0];
	_ =	sdelay $0x7  }
0x61: {  	[tilespmem:v1+s16+$0x0] =	vst.idx.add.f32.msk $0xffff, v0  }
0x62: {  	v1 =	vld [tilespmem:$0x1E0];
	_ =	sdelay $0x7  }
0x63: {  	[tilespmem:v1+s16+$0x0] =	vst.idx.add.f32.msk $0xffff, v0  }
0x64: {  	v1 =	vld [tilespmem:$0x1F0];
	_ =	sdelay $0x7  }
.Ltmp2:
0x65: {  	[tilespmem:v1+s16+$0x0] =	vst.idx.add.f32.msk $0xffff, v0;
	(pc) =	sbr.rel @p0 .LBB2_4-.Ltmp2, $4  }
0x66: {  	[spmem:s2] =	stream.indirect.scatter.add.f32 [tilespmem:s23], [sflag:$0x5], $0x80, s24, s19, $0xb8;
	[tilespmem:$0x1E580] =	vst v63  }
0x67: {  	_ =	swait.ge [sflag:s15], $0x4000  }
0x68: {  	[sflag:s15] =	ssyncset.done $0x0  }
0x69: {  	[sflag:s15] =	ssyncadd.s32 $0xFFFFC000  }
.Ltmp3:
0x6a: {  	(pc) =	sbr.rel .LBB2_2-.Ltmp3, $4  }
0x6b: {  	_ = 	snop  }
0x6c: {  	s28 =	sadd.s32 s26, s13  }
0x6d: {  	s26 =	sadd.s32 $0x40, s26;
	s28 =	sadd.s32 $0xA20, s28  }
0x6e: {  	[tilespmem:s17], [sflag:$0x4] =	stream.linear.gather [hbm4b:s28+s3], $0x100, $0x38;
	[tilespmem:$0x1E580] =	vst v63  }
.LBB2_5:
0x6f: {  	_ =	sfence.sel $0x180000  }
0x70: {  	[bflag:$0x0] =	sbarrier.arrive $0xFFFF  }
0x71: {  	p0 =	sne.s32 s1, $0x0;
	_ =	strace $0x90000047  }
0x72: {  	s0 =	sadd.s32 @!p0 $0x100000, s0;
	[bflag:$0x2] =	sbarrier.arrive $0xFFFF  }
0x73: {  	[sflag:s0] =	ssyncadd.tile.s32 @!p0 $0x1;
	_ =	shalt  }
.Lfunc_end2:
_tile_overlayer_lowered:
.L_overlay_start_2:
0x74: {  	(tag) =	ssettag $0x2  }
0x75: {  	s0 =	rddreg [dreg:$0x0];
	s2 =	stileid.u32  }
0x76: {  	s1 =	rddreg [dreg:$0x1];
	p0 =	sne.s32 s2, $0x0  }
0x77: {  	s3 =	rddreg [dreg:$0x2];
	[bflag:$0x3] =	sbarrier.arrive $0xFFFF;
	s2 =	simm.s32 @!p0 $0x1C05  }
0x78: {  	[timem:s3], [sflag:s2] =	dma.local @!p0 [hbm:s0], s1  }
0x79: {  	s0 =	simm.s32 @!p0 $0x5  }
0x7a: {  	_ =	swait.ge @!p0 [sflag:s0], s1  }
0x7b: {  	s1 =	ssub.s32 @!p0 $0x0, s1;
	[sflag:s0] =	ssyncset.done @!p0 $0x0  }
0x7c: {  	[sflag:s0] =	ssyncadd.s32 @!p0 s1  }
0x7d: {  	[bflag:$0x3] =	sbarrier.arrive $0xFFFF  }
0x7e: {  	_ =	shalt  }

</sc_bundles>
